<compile_context>
chip_gen: v7x
topology: tpu7x:2x2x1
jax: 0.10.2.dev20260603
libtpu: 0.0.44.dev20260713+nightly
codegen_flags: <defaults>
</compile_context>

<pallas_src>
import functools

import jax
import jax.numpy as jnp
from jax import lax
from jax.experimental import pallas as pl
from jax.experimental.pallas import tpu as pltpu
from jax.experimental.pallas import tpu_sc as plsc

H = 128
E_PAD = 300032
SENTINEL = 0x3FFFFFFF
NW = 32



def _proj_body(x_ref, w_ref, b_ref, o_ref):
    o_ref[...] = jnp.dot(x_ref[...], w_ref[...],
                         preferred_element_type=jnp.float32) + b_ref[...]


def _proj(x, W, b, block=2000):
    n = x.shape[0]
    assert n % block == 0
    return pl.pallas_call(
        _proj_body,
        grid=(n // block,),
        in_specs=[pl.BlockSpec((block, H), lambda i: (i, 0)),
                  pl.BlockSpec((H, H), lambda i: (0, 0)),
                  pl.BlockSpec((1, H), lambda i: (0, 0))],
        out_specs=pl.BlockSpec((block, H), lambda i: (i, 0)),
        out_shape=jax.ShapeDtypeStruct((n, H), jnp.float32),
    )(x, W, b.reshape(1, H))


def _conv_body(x_ref, agg_ref, cnt_ref, wl_ref, bl_ref, wr_ref, o_ref):
    inv = 1.0 / jnp.clip(cnt_ref[...], 1.0, None)
    mean = agg_ref[...] * inv
    acc = jnp.dot(mean, wl_ref[...], preferred_element_type=jnp.float32)
    acc = acc + jnp.dot(x_ref[...], wr_ref[...],
                        preferred_element_type=jnp.float32)
    o_ref[...] = jnp.maximum(acc + bl_ref[...], 0.0)


def _conv(x, agg, cnt, Wl, bl, Wr, block=2000):
    n = x.shape[0]
    assert n % block == 0
    return pl.pallas_call(
        _conv_body,
        grid=(n // block,),
        in_specs=[pl.BlockSpec((block, H), lambda i: (i, 0)),
                  pl.BlockSpec((block, H), lambda i: (i, 0)),
                  pl.BlockSpec((block, 1), lambda i: (i, 0)),
                  pl.BlockSpec((H, H), lambda i: (0, 0)),
                  pl.BlockSpec((1, H), lambda i: (0, 0)),
                  pl.BlockSpec((H, H), lambda i: (0, 0))],
        out_specs=pl.BlockSpec((block, H), lambda i: (i, 0)),
        out_shape=jax.ShapeDtypeStruct((n, H), jnp.float32),
    )(x, agg, cnt.reshape(n, 1), Wl, bl.reshape(1, H), Wr)


def _heads_body(h_ref, wc1_ref, bc1_ref, wc2_ref, bc2_ref,
                wq1_ref, bq1_ref, wq2_ref, bq2_ref, fr_ref, rg_ref):
    h = h_ref[...]
    c = jnp.maximum(jnp.dot(h, wc1_ref[...], preferred_element_type=jnp.float32)
                    + bc1_ref[...], 0.0)
    fr_ref[...] = jnp.dot(c, wc2_ref[...],
                          preferred_element_type=jnp.float32) + bc2_ref[...]
    q = jnp.maximum(jnp.dot(h, wq1_ref[...], preferred_element_type=jnp.float32)
                    + bq1_ref[...], 0.0)
    rg_ref[...] = jnp.dot(q, wq2_ref[...],
                          preferred_element_type=jnp.float32) + bq2_ref[...]


def _heads(h, Wc1, bc1, Wc2, bc2, Wq1, bq1, Wq2, bq2, block=2000):
    n = h.shape[0]
    assert n % block == 0
    hw = H // 2
    return pl.pallas_call(
        _heads_body,
        grid=(n // block,),
        in_specs=[pl.BlockSpec((block, H), lambda i: (i, 0)),
                  pl.BlockSpec((H, hw), lambda i: (0, 0)),
                  pl.BlockSpec((1, hw), lambda i: (0, 0)),
                  pl.BlockSpec((hw, 2), lambda i: (0, 0)),
                  pl.BlockSpec((1, 2), lambda i: (0, 0)),
                  pl.BlockSpec((H, hw), lambda i: (0, 0)),
                  pl.BlockSpec((1, hw), lambda i: (0, 0)),
                  pl.BlockSpec((hw, 32), lambda i: (0, 0)),
                  pl.BlockSpec((1, 32), lambda i: (0, 0))],
        out_specs=[pl.BlockSpec((block, 2), lambda i: (i, 0)),
                   pl.BlockSpec((block, 32), lambda i: (i, 0))],
        out_shape=[jax.ShapeDtypeStruct((n, 2), jnp.float32),
                   jax.ShapeDtypeStruct((n, 32), jnp.float32)],
    )(h, Wc1, bc1.reshape(1, hw), Wc2, bc2.reshape(1, 2),
      Wq1, bq1.reshape(1, hw), Wq2, bq2.reshape(1, 32))



def _pad_edges(idx):
    return jnp.concatenate(
        [idx, jnp.full((E_PAD - idx.shape[0],), SENTINEL, jnp.int32)])


def _pad_src(idx):
    return jnp.concatenate(
        [idx, jnp.zeros((E_PAD - idx.shape[0],), jnp.int32)])


@functools.partial(jax.jit, static_argnums=(2,))
def _seg_count2(dst_a, dst_b, n_dst):
    rng = 3136
    nblk = 16
    blk = E_PAD // nblk
    last = n_dst - (NW - 1) * rng
    assert 0 < last <= rng
    mesh = plsc.VectorSubcoreMesh(core_axis_name="c", subcore_axis_name="s")

    @functools.partial(
        pl.kernel, mesh=mesh,
        out_type=[jax.ShapeDtypeStruct((n_dst,), jnp.float32),
                  jax.ShapeDtypeStruct((n_dst,), jnp.float32)],
        scratch_types=[pltpu.VMEM((blk,), jnp.int32),
                       pltpu.VMEM((rng,), jnp.float32),
                       pltpu.VMEM((rng,), jnp.float32)],
        compiler_params=pltpu.CompilerParams(needs_layout_passes=False),
    )
    def k(dsta_hbm, dstb_hbm, outa_hbm, outb_hbm, dbuf, acca, accb):
        wid = lax.axis_index("s") * 2 + lax.axis_index("c")
        lo = wid * rng
        urng = jnp.uint32(rng)
        zero = jnp.zeros((16,), jnp.float32)
        ones = jnp.ones((16,), jnp.float32)

        def zbody(i, _):
            acca[pl.ds(i * 16, 16)] = zero
            accb[pl.ds(i * 16, 16)] = zero
            return 0
        lax.fori_loop(0, rng // 16, zbody, 0)

        def scan(src_hbm, acc):
            def blk_body(b, _):
                pltpu.sync_copy(src_hbm.at[pl.ds(b * blk, blk)], dbuf)

                def step(j, _):
                    d = dbuf[pl.ds(j * 16, 16)]
                    local = d - lo
                    m = local.astype(jnp.uint32) < urng
                    plsc.addupdate_scatter(acc, [local], ones, mask=m)
                    return 0
                lax.fori_loop(0, blk // 16, step, 0, unroll=2)
                return 0
            lax.fori_loop(0, nblk, blk_body, 0)
        scan(dsta_hbm, acca)
        scan(dstb_hbm, accb)

        @pl.when(wid < NW - 1)
        def _():
            pltpu.sync_copy(acca.at[pl.ds(0, rng)], outa_hbm.at[pl.ds(lo, rng)])
            pltpu.sync_copy(accb.at[pl.ds(0, rng)], outb_hbm.at[pl.ds(lo, rng)])

        @pl.when(wid == NW - 1)
        def _():
            pltpu.sync_copy(acca.at[pl.ds(0, last)], outa_hbm.at[pl.ds(lo, last)])
            pltpu.sync_copy(accb.at[pl.ds(0, last)], outb_hbm.at[pl.ds(lo, last)])

    return k(dst_a, dst_b)


@functools.partial(jax.jit, static_argnums=(3,))
def _seg_sum(h_src, src, dst, n_dst):
    C = 12800
    TR = C // 16
    PT = E_PAD // 16
    BLK = 4688
    NBLK = PT // BLK
    B = 32
    n_chunks = -(-n_dst // C)
    assert n_chunks % 2 == 0 and NBLK * BLK == PT and n_dst % TR == 0
    per_core = n_chunks // 2
    DUMP = C
    mesh = plsc.VectorSubcoreMesh(core_axis_name="c", subcore_axis_name="s")
    zeros_hbm = jnp.zeros((TR, H), jnp.float32)

    @functools.partial(
        pl.kernel, mesh=mesh,
        out_type=jax.ShapeDtypeStruct((n_dst, H), jnp.float32),
        scratch_types=[pltpu.VMEM((BLK,), jnp.int32),
                       pltpu.VMEM((BLK,), jnp.int32),
                       pltpu.VMEM((BLK + 256,), jnp.int32),
                       pltpu.VMEM((BLK + 256,), jnp.int32),
                       pltpu.VMEM((B, H), jnp.float32),
                       pltpu.VMEM((B, H), jnp.float32),
                       pltpu.VMEM((B,), jnp.int32),
                       pltpu.VMEM((B,), jnp.int32),
                       pltpu.VMEM_SHARED((C + 8, H), jnp.float32),
                       pltpu.SemaphoreType.DMA,
                       pltpu.SemaphoreType.DMA],
        compiler_params=pltpu.CompilerParams(needs_layout_passes=False),
    )
    def k(hsrc_hbm, src_hbm, dst_hbm, z_hbm, out_hbm,
          dbuf, sbuf, st_dst, st_src, rows0, rows1, bidx0, bidx1,
          acc, gs0, gs1):
        cid = lax.axis_index("c")
        sid = lax.axis_index("s")

        def flush_pairs(npairs):
            def pair(p, _):
                g0 = pltpu.async_copy(
                    hsrc_hbm.at[st_src.at[pl.ds(p * 2 * B, B)]], rows0, gs0)
                g1 = pltpu.async_copy(
                    hsrc_hbm.at[st_src.at[pl.ds(p * 2 * B + B, B)]],
                    rows1, gs1)
                g0.wait()
                for t in range(B // 16):
                    bidx0[pl.ds(t * 16, 16)] = \
                        st_dst[pl.ds(p * 2 * B + t * 16, 16)]
                pltpu.sync_copy(rows0, acc.at[bidx0], add=True)
                g1.wait()
                for t in range(B // 16):
                    bidx1[pl.ds(t * 16, 16)] = \
                        st_dst[pl.ds(p * 2 * B + B + t * 16, 16)]
                pltpu.sync_copy(rows1, acc.at[bidx1], add=True)
                return 0
            lax.fori_loop(0, npairs, pair, 0)

        def chunk_body(kk, _):
            base = (cid + 2 * kk) * C
            pltpu.sync_copy(z_hbm, acc.at[pl.ds(sid * TR, TR)])
            plsc.subcore_barrier()

            def blk_body(blk, off):
                e0 = sid * PT + blk * BLK
                ld = pltpu.async_copy(dst_hbm.at[pl.ds(e0, BLK)], dbuf, gs0)
                ls = pltpu.async_copy(src_hbm.at[pl.ds(e0, BLK)], sbuf, gs1)
                ld.wait()
                ls.wait()


                def step(j, off):
                    d = dbuf[pl.ds(j * 16, 16)]
                    s = sbuf[pl.ds(j * 16, 16)]
                    local = d - base
                    m = local.astype(jnp.uint32) < jnp.uint32(C)
                    plsc.store_compressed(st_dst.at[pl.ds(off, 16)],
                                          local, mask=m)
                    plsc.store_compressed(st_src.at[pl.ds(off, 16)],
                                          s, mask=m)
                    return off + jnp.sum(m.astype(jnp.int32))
                off = lax.fori_loop(0, BLK // 16, step, off, unroll=2)

                np_ = off // (2 * B)
                flush_pairs(np_)
                r0 = np_ * 2 * B
                for t in range(2 * B // 16):
                    v = st_dst[pl.ds(r0 + t * 16, 16)]
                    st_dst[pl.ds(t * 16, 16)] = v
                    w = st_src[pl.ds(r0 + t * 16, 16)]
                    st_src[pl.ds(t * 16, 16)] = w
                return off - r0
            off = lax.fori_loop(0, NBLK, blk_body, jnp.int32(0))

            dump_v = jnp.full((16,), DUMP, jnp.int32)
            zero_v = jnp.zeros((16,), jnp.int32)
            for t in range(2 * B // 16):
                st_dst[pl.ds(off + 16 * t, 16)] = dump_v
                st_src[pl.ds(off + 16 * t, 16)] = zero_v
            flush_pairs((off + 2 * B - 1) // (2 * B))
            plsc.subcore_barrier()

            row0 = base + sid * TR
            @pl.when(row0 + TR <= n_dst)
            def _():
                pltpu.sync_copy(acc.at[pl.ds(sid * TR, TR)],
                                out_hbm.at[pl.ds(row0, TR)])
            plsc.subcore_barrier()
            return 0
        lax.fori_loop(0, per_core, chunk_body, 0)

    return k(h_src, src, dst, zeros_hbm)



def kernel(x_user, x_transaction, ei_u2t, ei_t2u,
           Wp_user, bp_user, Wp_txn, bp_txn,
           Wl0_u2t, bl0_u2t, Wr0_u2t, Wl0_t2u, bl0_t2u, Wr0_t2u,
           Wl1_u2t, bl1_u2t, Wr1_u2t, Wl1_t2u, bl1_t2u, Wr1_t2u,
           Wc1, bc1, Wc2, bc2, Wq1, bq1, Wq2, bq2):
    n_user = x_user.shape[0]
    n_txn = x_transaction.shape[0]
    su, du = ei_u2t[0].astype(jnp.int32), ei_u2t[1].astype(jnp.int32)
    st, dt = ei_t2u[0].astype(jnp.int32), ei_t2u[1].astype(jnp.int32)

    hu = _proj(x_user, Wp_user, bp_user)
    ht = _proj(x_transaction, Wp_txn, bp_txn)

    su_pad, du_pad = _pad_src(su), _pad_edges(du)
    st_pad, dt_pad = _pad_src(st), _pad_edges(dt)
    cnt_t, cnt_u = _seg_count2(du_pad, dt_pad, n_txn)

    ht1 = _conv(ht, _seg_sum(hu, su_pad, du_pad, n_txn), cnt_t,
                Wl0_u2t, bl0_u2t, Wr0_u2t)
    hu1 = _conv(hu, _seg_sum(ht, st_pad, dt_pad, n_user), cnt_u,
                Wl0_t2u, bl0_t2u, Wr0_t2u)

    ht2 = _conv(ht1, _seg_sum(hu1, su_pad, du_pad, n_txn), cnt_t,
                Wl1_u2t, bl1_u2t, Wr1_u2t)
    hu2 = _conv(hu1, _seg_sum(ht1, st_pad, dt_pad, n_user), cnt_u,
                Wl1_t2u, bl1_t2u, Wr1_t2u)

    fraud_logits, ring_emb = _heads(ht2, Wc1, bc1, Wc2, bc2, Wq1, bq1, Wq2, bq2)
    return (fraud_logits, ring_emb, hu2, ht2)

# --- scband reference (transcript-rebuilt; emitter-appended) ---
"""Pipeline reference for scband-hetero-graph-sage-18734647345201 (READ-ONLY COPY).

The authoritative reference and input builder live on the scoring server;
editing this copy changes nothing except your own understanding.
"""

import jax, jax.numpy as jnp
import numpy as np

N_USER = 100000
N_TXN = 100000
E = 300000
D_IN = 128
H = 128


def _lin_init(k, din, dout):
    return jax.random.uniform(k, (din, dout), jnp.float32, -1.0, 1.0) * (1.0 / np.sqrt(din))


def setup_inputs(seed: int = 0):
    key = jax.random.key(seed)
    ks = jax.random.split(key, 40)
    inp = {}
    inp['x_user'] = jax.random.normal(ks[0], (N_USER, D_IN), jnp.float32)
    inp['x_transaction'] = jax.random.normal(ks[1], (N_TXN, D_IN), jnp.float32)
    inp['ei_u2t'] = jnp.stack([jax.random.randint(ks[2], (E,), 0, N_USER),
                               jax.random.randint(ks[3], (E,), 0, N_TXN)]).astype(jnp.int64)
    inp['ei_t2u'] = jnp.stack([jax.random.randint(ks[4], (E,), 0, N_TXN),
                               jax.random.randint(ks[5], (E,), 0, N_USER)]).astype(jnp.int64)
    i = 6
    inp['Wp_user'] = _lin_init(ks[i], D_IN, H); i += 1
    inp['bp_user'] = jnp.zeros((H,), jnp.float32)
    inp['Wp_txn'] = _lin_init(ks[i], D_IN, H); i += 1
    inp['bp_txn'] = jnp.zeros((H,), jnp.float32)
    for l in range(2):
        for et in ('u2t', 't2u'):
            inp['Wl%d_%s' % (l, et)] = _lin_init(ks[i], H, H); i += 1
            inp['bl%d_%s' % (l, et)] = jnp.zeros((H,), jnp.float32)
            inp['Wr%d_%s' % (l, et)] = _lin_init(ks[i], H, H); i += 1
    inp['Wc1'] = _lin_init(ks[i], H, H // 2); i += 1
    inp['bc1'] = jnp.zeros((H // 2,), jnp.float32)
    inp['Wc2'] = _lin_init(ks[i], H // 2, 2); i += 1
    inp['bc2'] = jnp.zeros((2,), jnp.float32)
    inp['Wq1'] = _lin_init(ks[i], H, H // 2); i += 1
    inp['bq1'] = jnp.zeros((H // 2,), jnp.float32)
    inp['Wq2'] = _lin_init(ks[i], H // 2, 32); i += 1
    inp['bq2'] = jnp.zeros((32,), jnp.float32)
    return inp


def _sage(x_src, x_dst, ei, Wl, bl, Wr):
    # PyG SAGEConv (mean aggr): out = lin_l(mean_{j in N(i)} x_j) + lin_r(x_i)
    src, dst = ei[0], ei[1]
    n_dst = x_dst.shape[0]
    msgs = jnp.take(x_src, src, axis=0)
    agg = jax.ops.segment_sum(msgs, dst, num_segments=n_dst)
    cnt = jax.ops.segment_sum(jnp.ones((src.shape[0],), jnp.float32), dst, num_segments=n_dst)
    mean = agg / jnp.clip(cnt, 1.0, None)[:, None]
    return mean @ Wl + bl + x_dst @ Wr


def reference(x_user, x_transaction, ei_u2t, ei_t2u,
              Wp_user, bp_user, Wp_txn, bp_txn,
              Wl0_u2t, bl0_u2t, Wr0_u2t, Wl0_t2u, bl0_t2u, Wr0_t2u,
              Wl1_u2t, bl1_u2t, Wr1_u2t, Wl1_t2u, bl1_t2u, Wr1_t2u,
              Wc1, bc1, Wc2, bc2, Wq1, bq1, Wq2, bq2):
    # lazy per-node-type input projections
    hu = x_user @ Wp_user + bp_user
    ht = x_transaction @ Wp_txn + bp_txn
    # HeteroConv layer 0 (aggr='sum': one conv per dst type here)
    ht_new = _sage(hu, ht, ei_u2t, Wl0_u2t, bl0_u2t, Wr0_u2t)
    hu_new = _sage(ht, hu, ei_t2u, Wl0_t2u, bl0_t2u, Wr0_t2u)
    hu, ht = jax.nn.relu(hu_new), jax.nn.relu(ht_new)  # dropout is identity in eval mode
    # HeteroConv layer 1
    ht_new = _sage(hu, ht, ei_u2t, Wl1_u2t, bl1_u2t, Wr1_u2t)
    hu_new = _sage(ht, hu, ei_t2u, Wl1_t2u, bl1_t2u, Wr1_t2u)
    hu, ht = jax.nn.relu(hu_new), jax.nn.relu(ht_new)
    fraud_logits = jax.nn.relu(ht @ Wc1 + bc1) @ Wc2 + bc2
    ring_emb = jax.nn.relu(ht @ Wq1 + bq1) @ Wq2 + bq2
    return (fraud_logits, ring_emb, hu, ht)

if __name__ == "__main__":
    import jax
    _d = setup_inputs()
    print(jax.jit(kernel)(*tuple(_d.values())))

</pallas_src>

<mosaic_0001>
#map = affine_map<(d0, d1) -> (0)>
module attributes {stable_mosaic.version = 14 : i64} {
  func.func @k(%arg0: i32, %arg1: i32, %arg2: memref<300032xi32, #tpu.memory_space<hbm>>, %arg3: memref<300032xi32, #tpu.memory_space<hbm>>, %arg4: memref<100000xf32, #tpu.memory_space<hbm>>, %arg5: memref<100000xf32, #tpu.memory_space<hbm>>, %arg6: memref<18752xi32, #tpu.memory_space<vmem>>, %arg7: memref<3136xf32, #tpu.memory_space<vmem>>, %arg8: memref<3136xf32, #tpu.memory_space<vmem>>) attributes {dimension_semantics = [#tpu.dimension_semantics<core_parallel>, #tpu.dimension_semantics<subcore_parallel>], iteration_bounds = array<i64: 2, 16>, scalar_prefetch = 0 : i64, scratch_operands = 3 : i64, tpu.core_type = #tpu.core_type<sc_vector_subcore>, window_params = [{transform_indices = #map}, {transform_indices = #map}, {transform_indices = #map}, {transform_indices = #map}]} {
    %mul3A = arith.constant 2 : i32
    %mul3A_0 = arith.muli %arg1, %mul3A : i32
    %add3A = arith.addi %mul3A_0, %arg0 : i32
    %mul3A_1 = arith.constant 3136 : i32
    %mul3A_2 = arith.muli %add3A, %mul3A_1 : i32
    %broadcast_in_dim3A = arith.constant 0.000000e+00 : f32
    %broadcast_in_dim3A_3 = vector.broadcast %broadcast_in_dim3A : f32 to vector<16xf32>
    %broadcast_in_dim3A_4 = arith.constant 1.000000e+00 : f32
    %broadcast_in_dim3A_5 = vector.broadcast %broadcast_in_dim3A_4 : f32 to vector<16xf32>
    %scan3A = arith.constant 0 : i32
    %scan3A_6 = arith.constant 0 : i32
    %scan3A_7 = arith.constant 196 : i32
    %scan3A_8 = arith.addi %scan3A_6, %scan3A_7 : i32
    %scan3A_9 = arith.constant 1 : i32
    %scan3A_10 = scf.for %scan3A_34 = %scan3A_6 to %scan3A_8 step %scan3A_9 iter_args(%scan3A_35 = %scan3A) -> (i32)  : i32 {
      %mul3A_36 = arith.constant 16 : i32
      %mul3A_37 = arith.muli %scan3A_34, %mul3A_36 : i32
      %swap3A = arith.index_cast %mul3A_37 : i32 to index
      %swap3A_38 = tpu.vector_load %arg7[%swap3A] {strides = array<i32>} : memref<3136xf32, #tpu.memory_space<vmem>>, vector<16xf32>,
      tpu.vector_store %arg7[%swap3A], %broadcast_in_dim3A_3 {strides = array<i32>} : memref<3136xf32, #tpu.memory_space<vmem>>, vector<16xf32>,
      %mul3A_39 = arith.constant 16 : i32
      %mul3A_40 = arith.muli %scan3A_34, %mul3A_39 : i32
      %swap3A_41 = arith.index_cast %mul3A_40 : i32 to index
      %swap3A_42 = tpu.vector_load %arg8[%swap3A_41] {strides = array<i32>} : memref<3136xf32, #tpu.memory_space<vmem>>, vector<16xf32>,
      tpu.vector_store %arg8[%swap3A_41], %broadcast_in_dim3A_3 {strides = array<i32>} : memref<3136xf32, #tpu.memory_space<vmem>>, vector<16xf32>,
      %scan3A_43 = arith.constant 0 : i32
      scf.yield %scan3A_43 : i32
    }
    %scan3A_11 = arith.constant 196 : i32
    %scan3A_12 = arith.constant 3136 : i32
    %scan3A_13 = arith.constant 0 : i32
    %scan3A_14 = arith.constant 0 : i32
    %scan3A_15 = arith.constant 16 : i32
    %scan3A_16 = arith.addi %scan3A_14, %scan3A_15 : i32
    %scan3A_17 = arith.constant 1 : i32
    %scan3A_18 = scf.for %scan3A_34 = %scan3A_14 to %scan3A_16 step %scan3A_17 iter_args(%scan3A_35 = %scan3A_13) -> (i32)  : i32 {
      %mul3A_36 = arith.constant 18752 : i32
      %mul3A_37 = arith.muli %scan3A_34, %mul3A_36 : i32
      "tpu.region"() ({
        %run_scoped3A = tpu.sem_alloc : memref<!tpu.dma_semaphore, #tpu.memory_space<semaphore_mem>>
        %dma_start3A = tpu.memref_slice %arg2[%mul3A_37] : memref<300032xi32, #tpu.memory_space<hbm>> -> memref<18752xi32, #tpu.memory_space<hbm>>
        %dma_start3A_46 = tpu.memref_slice %arg2[%mul3A_37] : memref<300032xi32, #tpu.memory_space<hbm>> -> memref<18752xi32, #tpu.memory_space<hbm>>
        tpu.enqueue_dma source(%dma_start3A_46 : memref<18752xi32, #tpu.memory_space<hbm>>) target(%arg6 : memref<18752xi32, #tpu.memory_space<vmem>>) target_semaphore(%run_scoped3A : memref<!tpu.dma_semaphore, #tpu.memory_space<semaphore_mem>>)
        %dma_wait3A = tpu.memref_slice %arg2[%mul3A_37] : memref<300032xi32, #tpu.memory_space<hbm>> -> memref<18752xi32, #tpu.memory_space<hbm>>
        %dma_wait3A_47 = tpu.memref_slice %arg2[%mul3A_37] : memref<300032xi32, #tpu.memory_space<hbm>> -> memref<18752xi32, #tpu.memory_space<hbm>>
        tpu.wait_dma2 semaphore(%run_scoped3A : memref<!tpu.dma_semaphore, #tpu.memory_space<semaphore_mem>>) src(%dma_wait3A_47 : memref<18752xi32, #tpu.memory_space<hbm>>) dst(%arg6 : memref<18752xi32, #tpu.memory_space<vmem>>)
        tpu.yield
      }) : () -> ()
      %scan3A_38 = arith.constant 0 : i32
      %scan3A_39 = arith.constant 0 : i32
      %scan3A_40 = arith.constant 1172 : i32
      %scan3A_41 = arith.addi %scan3A_39, %scan3A_40 : i32
      %scan3A_42 = arith.constant 2 : i32
      %scan3A_43 = scf.for %scan3A_46 = %scan3A_39 to %scan3A_41 step %scan3A_42 iter_args(%scan3A_47 = %scan3A_38) -> (i32)  : i32 {
        %mul3A_48 = arith.constant 16 : i32
        %mul3A_49 = arith.muli %scan3A_46, %mul3A_48 : i32
        %get3A = arith.index_cast %mul3A_49 : i32 to index
        %get3A_50 = tpu.vector_load %arg6[%get3A] {strides = array<i32>} : memref<18752xi32, #tpu.memory_space<vmem>>, vector<16xi32>,
        %sub3A = vector.broadcast %mul3A_2 : i32 to vector<16xi32>
        %sub3A_51 = arith.subi %get3A_50, %sub3A : vector<16xi32>
        %lt3A_52 = vector.broadcast %scan3A_12 : i32 to vector<16xi32>
        %lt3A_53 = arith.cmpi ult, %sub3A_51, %lt3A_52 : vector<16xi32>
        tpu.vector_store_idx %arg7[%sub3A_51], %broadcast_in_dim3A_5 masked %lt3A_53 {add = true} : memref<3136xf32, #tpu.memory_space<vmem>>[vector<16xi32>], vector<16xf32>, vector<16xi1>
        %scan3A_54 = arith.constant 0 : i32
        %scan3A_55 = arith.constant 1 : i32
        %scan3A_56 = arith.addi %scan3A_46, %scan3A_55 : i32
        %mul3A_57 = arith.constant 16 : i32
        %mul3A_58 = arith.muli %scan3A_56, %mul3A_57 : i32
        %get3A_59 = arith.index_cast %mul3A_58 : i32 to index
        %get3A_60 = tpu.vector_load %arg6[%get3A_59] {strides = array<i32>} : memref<18752xi32, #tpu.memory_space<vmem>>, vector<16xi32>,
        %sub3A_61 = vector.broadcast %mul3A_2 : i32 to vector<16xi32>
        %sub3A_62 = arith.subi %get3A_60, %sub3A_61 : vector<16xi32>
        %lt3A_63 = vector.broadcast %scan3A_12 : i32 to vector<16xi32>
        %lt3A_64 = arith.cmpi ult, %sub3A_62, %lt3A_63 : vector<16xi32>
        tpu.vector_store_idx %arg7[%sub3A_62], %broadcast_in_dim3A_5 masked %lt3A_64 {add = true} : memref<3136xf32, #tpu.memory_space<vmem>>[vector<16xi32>], vector<16xf32>, vector<16xi1>
        %scan3A_65 = arith.constant 0 : i32
        scf.yield %scan3A_65 : i32
      }
      %scan3A_44 = arith.constant 1172 : i32
      %scan3A_45 = arith.constant 0 : i32
      scf.yield %scan3A_45 : i32
    }
    %scan3A_19 = arith.constant 16 : i32
    %scan3A_20 = arith.constant 3136 : i32
    %scan3A_21 = arith.constant 0 : i32
    %scan3A_22 = arith.constant 0 : i32
    %scan3A_23 = arith.constant 16 : i32
    %scan3A_24 = arith.addi %scan3A_22, %scan3A_23 : i32
    %scan3A_25 = arith.constant 1 : i32
    %scan3A_26 = scf.for %scan3A_34 = %scan3A_22 to %scan3A_24 step %scan3A_25 iter_args(%scan3A_35 = %scan3A_21) -> (i32)  : i32 {
      %mul3A_36 = arith.constant 18752 : i32
      %mul3A_37 = arith.muli %scan3A_34, %mul3A_36 : i32
      "tpu.region"() ({
        %run_scoped3A = tpu.sem_alloc : memref<!tpu.dma_semaphore, #tpu.memory_space<semaphore_mem>>
        %dma_start3A = tpu.memref_slice %arg3[%mul3A_37] : memref<300032xi32, #tpu.memory_space<hbm>> -> memref<18752xi32, #tpu.memory_space<hbm>>
        %dma_start3A_46 = tpu.memref_slice %arg3[%mul3A_37] : memref<300032xi32, #tpu.memory_space<hbm>> -> memref<18752xi32, #tpu.memory_space<hbm>>
        tpu.enqueue_dma source(%dma_start3A_46 : memref<18752xi32, #tpu.memory_space<hbm>>) target(%arg6 : memref<18752xi32, #tpu.memory_space<vmem>>) target_semaphore(%run_scoped3A : memref<!tpu.dma_semaphore, #tpu.memory_space<semaphore_mem>>)
        %dma_wait3A = tpu.memref_slice %arg3[%mul3A_37] : memref<300032xi32, #tpu.memory_space<hbm>> -> memref<18752xi32, #tpu.memory_space<hbm>>
        %dma_wait3A_47 = tpu.memref_slice %arg3[%mul3A_37] : memref<300032xi32, #tpu.memory_space<hbm>> -> memref<18752xi32, #tpu.memory_space<hbm>>
        tpu.wait_dma2 semaphore(%run_scoped3A : memref<!tpu.dma_semaphore, #tpu.memory_space<semaphore_mem>>) src(%dma_wait3A_47 : memref<18752xi32, #tpu.memory_space<hbm>>) dst(%arg6 : memref<18752xi32, #tpu.memory_space<vmem>>)
        tpu.yield
      }) : () -> ()
      %scan3A_38 = arith.constant 0 : i32
      %scan3A_39 = arith.constant 0 : i32
      %scan3A_40 = arith.constant 1172 : i32
      %scan3A_41 = arith.addi %scan3A_39, %scan3A_40 : i32
      %scan3A_42 = arith.constant 2 : i32
      %scan3A_43 = scf.for %scan3A_46 = %scan3A_39 to %scan3A_41 step %scan3A_42 iter_args(%scan3A_47 = %scan3A_38) -> (i32)  : i32 {
        %mul3A_48 = arith.constant 16 : i32
        %mul3A_49 = arith.muli %scan3A_46, %mul3A_48 : i32
        %get3A = arith.index_cast %mul3A_49 : i32 to index
        %get3A_50 = tpu.vector_load %arg6[%get3A] {strides = array<i32>} : memref<18752xi32, #tpu.memory_space<vmem>>, vector<16xi32>,
        %sub3A = vector.broadcast %mul3A_2 : i32 to vector<16xi32>
        %sub3A_51 = arith.subi %get3A_50, %sub3A : vector<16xi32>
        %lt3A_52 = vector.broadcast %scan3A_20 : i32 to vector<16xi32>
        %lt3A_53 = arith.cmpi ult, %sub3A_51, %lt3A_52 : vector<16xi32>
        tpu.vector_store_idx %arg8[%sub3A_51], %broadcast_in_dim3A_5 masked %lt3A_53 {add = true} : memref<3136xf32, #tpu.memory_space<vmem>>[vector<16xi32>], vector<16xf32>, vector<16xi1>
        %scan3A_54 = arith.constant 0 : i32
        %scan3A_55 = arith.constant 1 : i32
        %scan3A_56 = arith.addi %scan3A_46, %scan3A_55 : i32
        %mul3A_57 = arith.constant 16 : i32
        %mul3A_58 = arith.muli %scan3A_56, %mul3A_57 : i32
        %get3A_59 = arith.index_cast %mul3A_58 : i32 to index
        %get3A_60 = tpu.vector_load %arg6[%get3A_59] {strides = array<i32>} : memref<18752xi32, #tpu.memory_space<vmem>>, vector<16xi32>,
        %sub3A_61 = vector.broadcast %mul3A_2 : i32 to vector<16xi32>
        %sub3A_62 = arith.subi %get3A_60, %sub3A_61 : vector<16xi32>
        %lt3A_63 = vector.broadcast %scan3A_20 : i32 to vector<16xi32>
        %lt3A_64 = arith.cmpi ult, %sub3A_62, %lt3A_63 : vector<16xi32>
        tpu.vector_store_idx %arg8[%sub3A_62], %broadcast_in_dim3A_5 masked %lt3A_64 {add = true} : memref<3136xf32, #tpu.memory_space<vmem>>[vector<16xi32>], vector<16xf32>, vector<16xi1>
        %scan3A_65 = arith.constant 0 : i32
        scf.yield %scan3A_65 : i32
      }
      %scan3A_44 = arith.constant 1172 : i32
      %scan3A_45 = arith.constant 0 : i32
      scf.yield %scan3A_45 : i32
    }
    %scan3A_27 = arith.constant 16 : i32
    %lt3A = arith.constant 31 : i32
    %lt3A_28 = arith.cmpi slt, %add3A, %lt3A : i32
    %convert_element_type3A = arith.extui %lt3A_28 : i1 to i32
    %cond3A = arith.constant 0 : i32
    %cond3A_29 = arith.cmpi ne, %convert_element_type3A, %cond3A : i32
    scf.if %cond3A_29 {
      "tpu.region"() ({
        %run_scoped3A = tpu.sem_alloc : memref<!tpu.dma_semaphore, #tpu.memory_space<semaphore_mem>>
        %dma_start3A = arith.constant 0 : i32
        %dma_start3A_34 = tpu.memref_slice %arg7[%dma_start3A] : memref<3136xf32, #tpu.memory_space<vmem>> -> memref<3136xf32, #tpu.memory_space<vmem>>
        %dma_start3A_35 = tpu.memref_slice %arg4[%mul3A_2] : memref<100000xf32, #tpu.memory_space<hbm>> -> memref<3136xf32, #tpu.memory_space<hbm>>
        %dma_start3A_36 = tpu.memref_slice %arg4[%mul3A_2] : memref<100000xf32, #tpu.memory_space<hbm>> -> memref<3136xf32, #tpu.memory_space<hbm>>
        %dma_start3A_37 = arith.constant 0 : i32
        %dma_start3A_38 = tpu.memref_slice %arg7[%dma_start3A_37] : memref<3136xf32, #tpu.memory_space<vmem>> -> memref<3136xf32, #tpu.memory_space<vmem>>
        tpu.enqueue_dma source(%dma_start3A_38 : memref<3136xf32, #tpu.memory_space<vmem>>) target(%dma_start3A_36 : memref<3136xf32, #tpu.memory_space<hbm>>) target_semaphore(%run_scoped3A : memref<!tpu.dma_semaphore, #tpu.memory_space<semaphore_mem>>)
        %dma_wait3A = arith.constant 0 : i32
        %dma_wait3A_39 = tpu.memref_slice %arg7[%dma_wait3A] : memref<3136xf32, #tpu.memory_space<vmem>> -> memref<3136xf32, #tpu.memory_space<vmem>>
        %dma_wait3A_40 = tpu.memref_slice %arg4[%mul3A_2] : memref<100000xf32, #tpu.memory_space<hbm>> -> memref<3136xf32, #tpu.memory_space<hbm>>
        %dma_wait3A_41 = tpu.memref_slice %arg4[%mul3A_2] : memref<100000xf32, #tpu.memory_space<hbm>> -> memref<3136xf32, #tpu.memory_space<hbm>>
        %dma_wait3A_42 = arith.constant 0 : i32
        %dma_wait3A_43 = tpu.memref_slice %arg7[%dma_wait3A_42] : memref<3136xf32, #tpu.memory_space<vmem>> -> memref<3136xf32, #tpu.memory_space<vmem>>
        tpu.wait_dma2 semaphore(%run_scoped3A : memref<!tpu.dma_semaphore, #tpu.memory_space<semaphore_mem>>) src(%dma_wait3A_43 : memref<3136xf32, #tpu.memory_space<vmem>>) dst(%dma_wait3A_41 : memref<3136xf32, #tpu.memory_space<hbm>>)
        tpu.yield
      }) : () -> ()
      "tpu.region"() ({
        %run_scoped3A = tpu.sem_alloc : memref<!tpu.dma_semaphore, #tpu.memory_space<semaphore_mem>>
        %dma_start3A = arith.constant 0 : i32
        %dma_start3A_34 = tpu.memref_slice %arg8[%dma_start3A] : memref<3136xf32, #tpu.memory_space<vmem>> -> memref<3136xf32, #tpu.memory_space<vmem>>
        %dma_start3A_35 = tpu.memref_slice %arg5[%mul3A_2] : memref<100000xf32, #tpu.memory_space<hbm>> -> memref<3136xf32, #tpu.memory_space<hbm>>
        %dma_start3A_36 = tpu.memref_slice %arg5[%mul3A_2] : memref<100000xf32, #tpu.memory_space<hbm>> -> memref<3136xf32, #tpu.memory_space<hbm>>
        %dma_start3A_37 = arith.constant 0 : i32
        %dma_start3A_38 = tpu.memref_slice %arg8[%dma_start3A_37] : memref<3136xf32, #tpu.memory_space<vmem>> -> memref<3136xf32, #tpu.memory_space<vmem>>
        tpu.enqueue_dma source(%dma_start3A_38 : memref<3136xf32, #tpu.memory_space<vmem>>) target(%dma_start3A_36 : memref<3136xf32, #tpu.memory_space<hbm>>) target_semaphore(%run_scoped3A : memref<!tpu.dma_semaphore, #tpu.memory_space<semaphore_mem>>)
        %dma_wait3A = arith.constant 0 : i32
        %dma_wait3A_39 = tpu.memref_slice %arg8[%dma_wait3A] : memref<3136xf32, #tpu.memory_space<vmem>> -> memref<3136xf32, #tpu.memory_space<vmem>>
        %dma_wait3A_40 = tpu.memref_slice %arg5[%mul3A_2] : memref<100000xf32, #tpu.memory_space<hbm>> -> memref<3136xf32, #tpu.memory_space<hbm>>
        %dma_wait3A_41 = tpu.memref_slice %arg5[%mul3A_2] : memref<100000xf32, #tpu.memory_space<hbm>> -> memref<3136xf32, #tpu.memory_space<hbm>>
        %dma_wait3A_42 = arith.constant 0 : i32
        %dma_wait3A_43 = tpu.memref_slice %arg8[%dma_wait3A_42] : memref<3136xf32, #tpu.memory_space<vmem>> -> memref<3136xf32, #tpu.memory_space<vmem>>
        tpu.wait_dma2 semaphore(%run_scoped3A : memref<!tpu.dma_semaphore, #tpu.memory_space<semaphore_mem>>) src(%dma_wait3A_43 : memref<3136xf32, #tpu.memory_space<vmem>>) dst(%dma_wait3A_41 : memref<3136xf32, #tpu.memory_space<hbm>>)
        tpu.yield
      }) : () -> ()
    } else {
    }
    %eq3A = arith.constant 31 : i32
    %eq3A_30 = arith.cmpi eq, %add3A, %eq3A : i32
    %convert_element_type3A_31 = arith.extui %eq3A_30 : i1 to i32
    %cond3A_32 = arith.constant 0 : i32
    %cond3A_33 = arith.cmpi ne, %convert_element_type3A_31, %cond3A_32 : i32
    scf.if %cond3A_33 {
      "tpu.region"() ({
        %run_scoped3A = tpu.sem_alloc : memref<!tpu.dma_semaphore, #tpu.memory_space<semaphore_mem>>
        %dma_start3A = arith.constant 0 : i32
        %dma_start3A_34 = tpu.memref_slice %arg7[%dma_start3A] : memref<3136xf32, #tpu.memory_space<vmem>> -> memref<2784xf32, #tpu.memory_space<vmem>>
        %dma_start3A_35 = tpu.memref_slice %arg4[%mul3A_2] : memref<100000xf32, #tpu.memory_space<hbm>> -> memref<2784xf32, #tpu.memory_space<hbm>>
        %dma_start3A_36 = tpu.memref_slice %arg4[%mul3A_2] : memref<100000xf32, #tpu.memory_space<hbm>> -> memref<2784xf32, #tpu.memory_space<hbm>>
        %dma_start3A_37 = arith.constant 0 : i32
        %dma_start3A_38 = tpu.memref_slice %arg7[%dma_start3A_37] : memref<3136xf32, #tpu.memory_space<vmem>> -> memref<2784xf32, #tpu.memory_space<vmem>>
        tpu.enqueue_dma source(%dma_start3A_38 : memref<2784xf32, #tpu.memory_space<vmem>>) target(%dma_start3A_36 : memref<2784xf32, #tpu.memory_space<hbm>>) target_semaphore(%run_scoped3A : memref<!tpu.dma_semaphore, #tpu.memory_space<semaphore_mem>>)
        %dma_wait3A = arith.constant 0 : i32
        %dma_wait3A_39 = tpu.memref_slice %arg7[%dma_wait3A] : memref<3136xf32, #tpu.memory_space<vmem>> -> memref<2784xf32, #tpu.memory_space<vmem>>
        %dma_wait3A_40 = tpu.memref_slice %arg4[%mul3A_2] : memref<100000xf32, #tpu.memory_space<hbm>> -> memref<2784xf32, #tpu.memory_space<hbm>>
        %dma_wait3A_41 = tpu.memref_slice %arg4[%mul3A_2] : memref<100000xf32, #tpu.memory_space<hbm>> -> memref<2784xf32, #tpu.memory_space<hbm>>
        %dma_wait3A_42 = arith.constant 0 : i32
        %dma_wait3A_43 = tpu.memref_slice %arg7[%dma_wait3A_42] : memref<3136xf32, #tpu.memory_space<vmem>> -> memref<2784xf32, #tpu.memory_space<vmem>>
        tpu.wait_dma2 semaphore(%run_scoped3A : memref<!tpu.dma_semaphore, #tpu.memory_space<semaphore_mem>>) src(%dma_wait3A_43 : memref<2784xf32, #tpu.memory_space<vmem>>) dst(%dma_wait3A_41 : memref<2784xf32, #tpu.memory_space<hbm>>)
        tpu.yield
      }) : () -> ()
      "tpu.region"() ({
        %run_scoped3A = tpu.sem_alloc : memref<!tpu.dma_semaphore, #tpu.memory_space<semaphore_mem>>
        %dma_start3A = arith.constant 0 : i32
        %dma_start3A_34 = tpu.memref_slice %arg8[%dma_start3A] : memref<3136xf32, #tpu.memory_space<vmem>> -> memref<2784xf32, #tpu.memory_space<vmem>>
        %dma_start3A_35 = tpu.memref_slice %arg5[%mul3A_2] : memref<100000xf32, #tpu.memory_space<hbm>> -> memref<2784xf32, #tpu.memory_space<hbm>>
        %dma_start3A_36 = tpu.memref_slice %arg5[%mul3A_2] : memref<100000xf32, #tpu.memory_space<hbm>> -> memref<2784xf32, #tpu.memory_space<hbm>>
        %dma_start3A_37 = arith.constant 0 : i32
        %dma_start3A_38 = tpu.memref_slice %arg8[%dma_start3A_37] : memref<3136xf32, #tpu.memory_space<vmem>> -> memref<2784xf32, #tpu.memory_space<vmem>>
        tpu.enqueue_dma source(%dma_start3A_38 : memref<2784xf32, #tpu.memory_space<vmem>>) target(%dma_start3A_36 : memref<2784xf32, #tpu.memory_space<hbm>>) target_semaphore(%run_scoped3A : memref<!tpu.dma_semaphore, #tpu.memory_space<semaphore_mem>>)
        %dma_wait3A = arith.constant 0 : i32
        %dma_wait3A_39 = tpu.memref_slice %arg8[%dma_wait3A] : memref<3136xf32, #tpu.memory_space<vmem>> -> memref<2784xf32, #tpu.memory_space<vmem>>
        %dma_wait3A_40 = tpu.memref_slice %arg5[%mul3A_2] : memref<100000xf32, #tpu.memory_space<hbm>> -> memref<2784xf32, #tpu.memory_space<hbm>>
        %dma_wait3A_41 = tpu.memref_slice %arg5[%mul3A_2] : memref<100000xf32, #tpu.memory_space<hbm>> -> memref<2784xf32, #tpu.memory_space<hbm>>
        %dma_wait3A_42 = arith.constant 0 : i32
        %dma_wait3A_43 = tpu.memref_slice %arg8[%dma_wait3A_42] : memref<3136xf32, #tpu.memory_space<vmem>> -> memref<2784xf32, #tpu.memory_space<vmem>>
        tpu.wait_dma2 semaphore(%run_scoped3A : memref<!tpu.dma_semaphore, #tpu.memory_space<semaphore_mem>>) src(%dma_wait3A_43 : memref<2784xf32, #tpu.memory_space<vmem>>) dst(%dma_wait3A_41 : memref<2784xf32, #tpu.memory_space<hbm>>)
        tpu.yield
      }) : () -> ()
    } else {
    }
    return
  }
}

</mosaic_0001>

<sc_bundles>
// kernel: _seg_count2.3.cloned.1.call-start
scs
__scs_entry_jumppad:
0x0: {  	(pc) =	sbr.rel $0x88, $3  }
0x1: {  	(tag) =	ssettag $0x0;
	lr =	simm.s32 $0x1  }
0x2: {  	[smem:$0x3F9F] =	sst lr;
	_ =	strace $0xD0000000  }
0x3: {  	_ = 	snop  }
0x4: {  	_ = 	snop  }
0x5: {  	_ = 	snop  }
0x6: {  	_ = 	snop  }
0x7: {  	_ = 	snop  }
__scs_overlays_trampoline_lowered:
0x8: {  	[smem:$0x3FAE] =	sst s0  }
0x9: {  	[smem:$0x3FAF] =	sst s1  }
0xa: {  	[smem:$0x3FB0] =	sst s2  }
0xb: {  	[smem:$0x3FB1] =	sst s3  }
0xc: {  	[smem:$0x3FB2] =	sst s4  }
0xd: {  	[smem:$0x3FB3] =	sst s5  }
0xe: {  	[smem:$0x3FB4] =	sst s6  }
0xf: {  	[smem:$0x3FB5] =	sst s7  }
0x10: {  	[smem:$0x3FB6] =	sst s8  }
0x11: {  	[smem:$0x3FB7] =	sst s9;
	s0 =	simm.s32 @!p0 $0x0  }
0x12: {  	s1 =	sld [smem:$0x3F9D];
	s0 =	simm.s32 @p0 $0x1  }
0x13: {  	[smem:$0x3FB8] =	sst s0;
	s0 =	simm.s32 @!p1 $0x0  }
0x14: {  	s2 =	sld [smem:$0x3F9C];
	s0 =	simm.s32 @p1 $0x1  }
0x15: {  	[smem:$0x3FB9] =	sst s0;
	s0 =	simm.s32 @!p2 $0x0  }
0x16: {  	s3 =	sld [smem:$0x3FDB];
	s0 =	simm.s32 @p2 $0x1  }
0x17: {  	s4 =	simm.s32 $0x1BF5;
	[smem:$0x3FBB] =	sst s0  }
0x18: {  	s0 =	sld [smem:$0x3F9E];
	_ =	swait.ge [sflag:s4], $0x0  }
0x19: {  	s7 =	sld [smem:$0x3F9F]  }
0x1a: {  	s8 =	sadd.s32 $0xFFFFE003, lr  }
0x1b: {  	s9 =	sadd.s32 $0xFFFFFEF7, lr;
	s5 =	simm.s32 $0xFFFFFFFF;
	p2 =	slt.u32 s8, $0xFFFFF086  }
0x1c: {  	p1 =	slt.u32 s9, $0xF7A;
	s5 =	simm.s32 @!p2 $0x0  }
0x1d: {  	s5 =	simm.s32 @p1 $0x1;
	p0 =	seq.s32 s7, s2  }
0x1e: {  	s7 =	smul.u32 @!p0 $0xF7A, s2;
	p2 =	seq.s32 @!p0 s5, $0x0  }
0x1f: {  	s9 =	smul.u32 $0xF7A, s1;
	s8 =	simm.s32 @!p0 $0x1BF5;
	p2 =	por !p2, p0  }
0x20: {  	[sflag:s8] =	ssyncset.s32 @!p0 $0xFFFFF086;
	s6 =	sadd.s32 @!p0 s3, s7;
	s7 =	simm.s32 @!p0 $0x108  }
0x21: {  	s3 =	sadd.s32 s3, s9;
	s6 =	sadd.s32 @!p0 $0x88, s6;
	s7 =	simm.s32 @p2 $0x1082  }
0x22: {  	[simem:s7], [sflag:s8] =	dma.local @!p0 [hbm:s6], $0xF7A  }
0x23: {  	s9 =	sor.u32 $0xD0000000, s2;
	s6 =	simm.s32 $0x108;
	_ =	swait.ge @!p0 [sflag:s8], $0x0  }
0x24: {  	s3 =	sadd.s32 $0x88, s3;
	s6 =	simm.s32 @!p1 $0x1082;
	[sflag:s4] =	ssyncset.s32 $0xFFFFF086  }
0x25: {  	[simem:s6], [sflag:s4] =	dma.local [hbm:s3], $0xF7A  }
0x26: {  	[smem:$0x3F9F] =	sst s1;
	(tag) =	ssettag s2;
	_ =	strace s9  }
0x27: {  	s1 =	sld [smem:$0x3FAF]  }
0x28: {  	s2 =	sld [smem:$0x3FB0]  }
0x29: {  	s4 =	sld [smem:$0x3FB2]  }
0x2a: {  	p0 =	seq.s32 s5, $0x0;
	s5 =	sld [smem:$0x3FB3]  }
0x2b: {  	s6 =	sld [smem:$0x3FB4]  }
0x2c: {  	s7 =	sld [smem:$0x3FB5]  }
0x2d: {  	s3 =	simm.s32 $0x108;
	s8 =	sld [smem:$0x3FB6]  }
0x2e: {  	s3 =	simm.s32 @!p0 $0x1082;
	s9 =	sld [smem:$0x3FB7]  }
0x2f: {  	lr =	sadd.s32 s0, s3;
	s0 =	sld [smem:$0x3FAE]  }
0x30: {  	s3 =	sld [smem:$0x3FB1]  }
0x31: {  	[smem:$0x3FBA] =	sst s10  }
0x32: {  	s10 =	sld [smem:$0x3FB8];
	_ =	sdelay $0x3  }
0x33: {  	p0 =	seq.s32 s10, $0x1;
	s10 =	sld [smem:$0x3FBA];
	_ =	sdelay $0x3  }
0x34: {  	[smem:$0x3FBA] =	sst s10  }
0x35: {  	s10 =	sld [smem:$0x3FB9];
	_ =	sdelay $0x3  }
0x36: {  	p1 =	seq.s32 s10, $0x1;
	s10 =	sld [smem:$0x3FBA];
	_ =	sdelay $0x3  }
0x37: {  	[smem:$0x3FBA] =	sst s10  }
0x38: {  	s10 =	sld [smem:$0x3FBB]  }
0x39: {  	_ = 	snop;
	(pc) =	sbr.ind lr, $3  }
0x3a: {  	_ = 	snop  }
0x3b: {  	_ = 	snop  }
0x3c: {  	p2 =	seq.s32 s10, $0x1;
	s10 =	sld [smem:$0x3FBA]  }
0x3d: {  	_ =	shalt  }
0x3e: {  	_ =	shalt  }
0x3f: {  	_ =	shalt  }
0x40: {  	_ =	shalt  }
0x41: {  	_ =	shalt  }
0x42: {  	_ =	shalt  }
0x43: {  	_ =	shalt  }
0x44: {  	_ =	shalt  }
0x45: {  	_ =	shalt  }
0x46: {  	_ =	shalt  }
0x47: {  	_ =	shalt  }
0x48: {  	_ =	shalt  }
0x49: {  	_ =	shalt  }
0x4a: {  	_ =	shalt  }
0x4b: {  	_ =	shalt  }
0x4c: {  	_ =	shalt  }
0x4d: {  	_ =	shalt  }
0x4e: {  	_ =	shalt  }
0x4f: {  	_ =	shalt  }
0x50: {  	_ =	shalt  }
0x51: {  	_ =	shalt  }
0x52: {  	_ =	shalt  }
0x53: {  	_ =	shalt  }
0x54: {  	_ =	shalt  }
0x55: {  	_ =	shalt  }
0x56: {  	_ =	shalt  }
0x57: {  	_ =	shalt  }
0x58: {  	_ =	shalt  }
0x59: {  	_ =	shalt  }
0x5a: {  	_ =	shalt  }
0x5b: {  	_ =	shalt  }
0x5c: {  	_ =	shalt  }
0x5d: {  	_ =	shalt  }
0x5e: {  	_ =	shalt  }
0x5f: {  	_ =	shalt  }
0x60: {  	_ =	shalt  }
0x61: {  	_ =	shalt  }
0x62: {  	_ =	shalt  }
0x63: {  	_ =	shalt  }
0x64: {  	_ =	shalt  }
0x65: {  	_ =	shalt  }
0x66: {  	_ =	shalt  }
0x67: {  	_ =	shalt  }
0x68: {  	_ =	shalt  }
0x69: {  	_ =	shalt  }
0x6a: {  	_ =	shalt  }
0x6b: {  	_ =	shalt  }
0x6c: {  	_ =	shalt  }
0x6d: {  	_ =	shalt  }
0x6e: {  	_ =	shalt  }
0x6f: {  	_ =	shalt  }
0x70: {  	_ =	shalt  }
0x71: {  	_ =	shalt  }
0x72: {  	_ =	shalt  }
0x73: {  	_ =	shalt  }
0x74: {  	_ =	shalt  }
0x75: {  	_ =	shalt  }
0x76: {  	_ =	shalt  }
0x77: {  	_ =	shalt  }
0x78: {  	_ =	shalt  }
0x79: {  	_ =	shalt  }
0x7a: {  	_ =	shalt  }
0x7b: {  	_ =	shalt  }
0x7c: {  	_ =	shalt  }
0x7d: {  	_ =	shalt  }
0x7e: {  	_ =	shalt  }
0x7f: {  	_ =	shalt  }
0x80: {  	_ =	shalt  }
0x81: {  	_ =	shalt  }
0x82: {  	_ =	shalt  }
0x83: {  	_ =	shalt  }
0x84: {  	_ =	shalt  }
0x85: {  	_ =	shalt  }
0x86: {  	_ =	shalt  }
0x87: {  	_ =	shalt  }
.Lfunc_end0:
.L_simem_size_0:
called_computation_lowered:
.L_overlay_start_0:
0x88: {  	s2 =	sld [smem:$0x3FD9]  }
0x89: {  	s3 =	sld [smem:$0x3FFE];
	_ =	sdelay $0x1  }
0x8a: {  	s1 =	srdreg.scid  }
0x8b: {  	s0 =	sand.u32 $0x1, s1  }
0x8c: {  	s15 =	sshll.u32 s0, $0xA;
	s2 =	sadd.s32 s3, s2  }
0x8d: {  	s2 =	sadd.s32 s2, s15  }
0x8e: {  	[smem:$0x3FC6] =	sst s2  }
0x8f: {  	_ = 	snop  }
0x90: {  	s2 =	sld [smem:$0x3FD0];
	_ =	sdelay $0x1  }
0x91: {  	s16 =	sld [smem:$0x3FC9]  }
0x92: {  	s5 =	simm.s32 $0xA;
	s6 =	simm.s32 $0x10;
	s4 =	sld [smem:$0x3FC8]  }
0x93: {  	[smem:s6], [sflag:s5] =	dma.local [hbm:s2], $0x1  }
0x94: {  	_ =	swait.eq [sflag:s5], $0x1  }
0x95: {  	[sflag:s5] =	ssyncset.done $0x0  }
0x96: {  	s17 =	sld [smem:$0x10];
	[sflag:s5] =	ssyncadd.s32 $0xFFFFFFFF  }
0x97: {  	s18 =	sld [smem:$0x11];
	(tm) =	ssettm $0x1  }
0x98: {  	s19 =	sld [smem:$0x3FFB];
	_ =	sdelay $0x3  }
0x99: {  	_ =	strace s19  }
0x9a: {  	s6 =	sld [smem:$0x3FFC];
	_ =	sdelay $0x3  }
0x9b: {  	_ =	strace s6  }
0x9c: {  	s6 =	sld [smem:$0x3FFD];
	_ =	sdelay $0x3  }
0x9d: {  	_ =	strace s6  }
0x9e: {  	_ =	strace $0x8FFFFFFF  }
0x9f: {  	s20 =	sld [smem:$0x3FDB];
	_ =	sdelay $0x1  }
0xa0: {  	s7 =	simm.s32 $_scs_section_size  }
0xa1: {  	s8 =	simm.s32 $_size__tile_overlayer_lowered;
	s9 =	simm.s32 $_tile_overlayer_lowered  }
0xa2: {  	s23 =	simm.s32 $0x1BFF;
	s22 =	sshll.u32 s9, $0x1;
	s6 =	sadd.s32 s7, s20  }
0xa3: {  	s10 =	simm.s32 $0x0;
	s21 =	sshll.u32 s8, $0x1;
	s8 =	sadd.s32 s22, s6  }
0xa4: {  	[timem:s10], [sflag:s23] =	dma.local [hbm:s8], s21  }
0xa5: {  	_ =	swait.ge [sflag:s23], s21  }
0xa6: {  	s7 =	ssub.s32 $0x0, s21;
	[sflag:s23] =	ssyncset.done $0x0  }
0xa7: {  	[sflag:s23] =	ssyncadd.s32 s7;
	_ =	sdelay $0x1  }
0xa8: {  	s24 =	simm.s32 $0x1B8B  }
0xa9: {  	_ =	swait.ge [sflag:s24], $0x1  }
0xaa: {  	[sflag:s24] =	ssyncset.done $0x0  }
0xab: {  	s25 =	simm.s32 $0x1B8E;
	[sflag:s24] =	ssyncadd.s32 $0xFFFFFFFF  }
0xac: {  	s26 =	simm.s32 $execute0_lowered;
	[smem:$0x3FD2] =	sst s25  }
0xad: {  	s7 =	sshll.u32 s26, $0x1;
	_ =	strace $0x80000046;
	[dreg:$0x1] =	wrdreg $0xFFFFFFFF  }
0xae: {  	s28 =	simm.s32 $_size_execute0_lowered;
	s6 =	sadd.s32 s6, s7;
	[dreg:$0x0] =	wrdreg $0x0  }
0xaf: {  	s7 =	sshll.u32 s28, $0x1;
	[dreg:$0x2] =	wrdreg s6  }
0xb0: {  	[dreg:$0x3] =	wrdreg s7  }
0xb1: {  	[dreg:$0x4] =	wrdreg $0xC0  }
0xb2: {  	_ =	task [dreg:s10], $0x5FFFF  }
0xb3: {  	[dreg:$0x1] =	wrdreg $0xFFFFFFFF  }
0xb4: {  	[dreg:$0x0] =	wrdreg $0x60  }
0xb5: {  	[dreg:$0x2] =	wrdreg s16  }
0xb6: {  	[dreg:$0x3] =	wrdreg s4  }
0xb7: {  	[dreg:$0x4] =	wrdreg s17  }
0xb8: {  	[dreg:$0x5] =	wrdreg s18  }
0xb9: {  	[dreg:$0x6] =	wrdreg $0x9  }
0xba: {  	_ =	task.clear_ibuf [dreg:s10], $0x7FFFF;
	_ =	strace $0x90000046  }
0xbb: {  	s29 =	simm.s32 $0x9;
	_ =	strace $0x80000048  }
0xbc: {  	_ =	swait.ge [sflag:s29], $0x1  }
0xbd: {  	[sflag:s29] =	ssyncadd.s32 $0xFFFFFFFF  }
0xbe: {  	_ =	strace $0x90000048  }
0xbf: {  	_ =	sfence  }
0xc0: {  	s30 =	sld [smem:$0x0];
	_ =	sdelay $0x2  }
0xc1: {  	s31 =	sshll.u32 s1, $0xD;
	s1 =	sshrl.u32 s1, $0x2  }
0xc2: {  	s3 =	sand.u32 $0x4000, s31;
	s1 =	sadd.s32 s1, s30  }
0xc3: {  	s0 =	sor.u32 s3, s0;
	s1 =	sshll.u32 s1, $0x11  }
0xc4: {  	s0 =	sor.u32 s1, s0  }
0xc5: {  	s0 =	sadd.s32 $0x8F2B, s0  }
0xc6: {  	[sflag:s0] =	ssyncadd.remote.s32 $0x1  }
0xc7: {  	_ =	sfence.sel $0xFFFF  }
0xc8: {  	[dreg:$0x0] =	wrdreg $0xFFFFFFFF;
	(pc) =	sbr.abs _section_cstart, $3  }
0xc9: {  	[dreg:$0x1] =	wrdreg $0xFFFFFFFF  }
0xca: {  	_ =	task.clear_ibuf [dreg:s10], $0x2FFFF;
	_ =	strace $0x9FFFFFFF  }
0xcb: {  	(tm) =	ssettm $0x7FFFFFFF  }
tec
execute0_lowered:
.L_overlay_start_1:
0x0: {  	(tag) =	ssettag $0x1  }
0x1: {  	s1 =	rddreg [dreg:$0x0]  }
0x2: {  	s2 =	rddreg [dreg:$0x1]  }
0x3: {  	s3 =	srdreg.scid;
	s7 =	rddreg [dreg:$0x2]  }
0x4: {  	s0 =	stileid.u32;
	s8 =	rddreg [dreg:$0x3];
	s4 =	simm.s32 $0x0  }
0x5: {  	s5 =	sand.u32 $0x1, s3;
	s31 =	sshll.u32 s0, $0x1;
	s3 =	rddreg [dreg:$0x4]  }
0x6: {  	s11 =	simm.s32 $0x4980;
	[smem:$0x7FF] =	sst s4;
	s13 =	sor.u32 s5, s31  }
0x7: {  	s5 =	ssub.s32 $0x2, s5;
	_ =	strace $0x80000047;
	s12 =	smul.u32 $0xC40, s13  }
0x8: {  	s6 =	sshrl.u32 s5, $0x1;
	p0 =	seq.s32 s13, $0x1F;
	s13 =	simm.s32 $0x0  }
0x9: {  	s10 =	ssub.s32 s5, s6;
	s9 =	sshrl.u32 s12, $0x3;
	v0 =	vmov s12;
	s12 =	simm.s32 $0x5600  }
0xa: {  	s5 =	sadd.s32 s7, s9;
	s6 =	sadd.s32 s8, s9;
	s7 =	sadd.s32 $0x2F78, s7  }
0xb: {  	v1 =	vimm.f32 $0.0e+00;
	v2 =	vimm.f32 $1.000000000e+00;
	s8 =	sadd.s32 $0x2F78, s8;
	s9 =	smax.u32 s10, $0x1;
	s10 =	simm.s32 $0x1  }
.LBB2_1:
0xc: {  	s14 =	simm.s32 $0x0  }
.LBB2_2:
0xd: {  	p1 =	sne.s32 s14, $0x30C0  }
.Ltmp0:
0xe: {  	_ = 	snop;
	(pc) =	sbr.rel @p1 .LBB2_2-.Ltmp0, $4  }
0xf: {  	_ = 	snop  }
0x10: {  	s15 =	sshra.s32 s14, $0x2  }
0x11: {  	[tilespmem:s15+$0x4980] =	vst v1  }
0x12: {  	s14 =	sadd.s32 $0x40, s14;
	[tilespmem:s15+$0x5600] =	vst v1  }
0x13: {  	s14 =	simm.s32 $0x0  }
.LBB2_4:
0x14: {  	s15 =	smul.u32 $0x928, s14;
	_ =	sdelay $0x1  }
0x15: {  	s15 =	sadd.s32 s1, s15  }
0x16: {  	[tilespmem:s4], [sflag:$0x1] =	stream.linear.gather [hbm4b:s15+s4], $0x4940, $0x38;
	[tilespmem:$0x6280] =	vst v63  }
0x17: {  	_ =	swait.ge [sflag:s10], $0x4940  }
0x18: {  	[sflag:s10] =	ssyncset.done $0x0  }
0x19: {  	s16 =	simm.s32 $0x10;
	s15 =	simm.s32 $0xFFFFFFFE;
	[sflag:s10] =	ssyncadd.s32 $0xFFFFB6C0  }
.LBB2_5:
0x1a: {  	v3 =	vld [tilespmem:s16+$0xFFFFFFF0];
	_ =	sdelay $0x4  }
0x1b: {  	v3 =	vsub.s32 v3, v0  }
0x1c: {  	vm0 =	vlt.u32 v3, $0xC40;
	_ =	sdelay $0x5  }
0x1d: {  	[tilespmem:v3+s11+$0x0] =	vst.idx.add.f32.msk vm0, v2  }
0x1e: {  	v3 =	vld [tilespmem:s16+$0x0];
	_ =	sdelay $0x4  }
0x1f: {  	v3 =	vsub.s32 v3, v0  }
0x20: {  	s15 =	sadd.s32 $0x2, s15;
	vm15 =	vlt.u32 v3, $0xC40  }
0x21: {  	p1 =	slt.u32 s15, $0x492  }
.Ltmp1:
0x22: {  	_ = 	snop;
	(pc) =	sbr.rel @p1 .LBB2_5-.Ltmp1, $2  }
0x23: {  	_ =	sdelay $0x2  }
0x24: {  	s16 =	sadd.s32 $0x20, s16;
	[tilespmem:v3+s11+$0x0] =	vst.idx.add.f32.msk vm15, v2  }
0x25: {  	s14 =	sadd.s32 $0x1, s14  }
0x26: {  	p1 =	sne.s32 s14, $0x10  }
.Ltmp2:
0x27: {  	_ = 	snop;
	(pc) =	sbr.rel @p1 .LBB2_4-.Ltmp2, $1  }
0x28: {  	_ =	sdelay $0x3  }
0x29: {  	s14 =	simm.s32 $0x0  }
.LBB2_8:
0x2a: {  	s15 =	smul.u32 $0x928, s14;
	_ =	sdelay $0x1  }
0x2b: {  	s15 =	sadd.s32 s2, s15  }
0x2c: {  	[tilespmem:s4], [sflag:$0x1] =	stream.linear.gather [hbm4b:s15+s4], $0x4940, $0x38;
	[tilespmem:$0x6280] =	vst v63  }
0x2d: {  	_ =	swait.ge [sflag:s10], $0x4940  }
0x2e: {  	[sflag:s10] =	ssyncset.done $0x0  }
0x2f: {  	s16 =	simm.s32 $0x10;
	s15 =	simm.s32 $0xFFFFFFFE;
	[sflag:s10] =	ssyncadd.s32 $0xFFFFB6C0  }
.LBB2_9:
0x30: {  	v3 =	vld [tilespmem:s16+$0xFFFFFFF0];
	_ =	sdelay $0x4  }
0x31: {  	v3 =	vsub.s32 v3, v0  }
0x32: {  	vm0 =	vlt.u32 v3, $0xC40;
	_ =	sdelay $0x5  }
0x33: {  	[tilespmem:v3+s12+$0x0] =	vst.idx.add.f32.msk vm0, v2  }
0x34: {  	v3 =	vld [tilespmem:s16+$0x0];
	_ =	sdelay $0x4  }
0x35: {  	v3 =	vsub.s32 v3, v0  }
0x36: {  	s15 =	sadd.s32 $0x2, s15;
	vm15 =	vlt.u32 v3, $0xC40  }
0x37: {  	p1 =	slt.u32 s15, $0x492  }
.Ltmp3:
0x38: {  	_ = 	snop;
	(pc) =	sbr.rel @p1 .LBB2_9-.Ltmp3, $2  }
0x39: {  	_ =	sdelay $0x2  }
0x3a: {  	s16 =	sadd.s32 $0x20, s16;
	[tilespmem:v3+s12+$0x0] =	vst.idx.add.f32.msk vm15, v2  }
0x3b: {  	s14 =	sadd.s32 $0x1, s14  }
0x3c: {  	p1 =	sne.s32 s14, $0x10  }
.Ltmp4:
0x3d: {  	_ = 	snop;
	(pc) =	sbr.rel @p1 .LBB2_8-.Ltmp4, $1  }
0x3e: {  	_ =	sdelay $0x3  }
0x3f: {  	s14 =	simm.s32 @p0 $0x0;
	s15 =	simm.s32 @p0 $0x4980  }
0x40: {  	[hbm4b:s7+s14] =	stream.linear.scatter @p0 [tilespmem:s15], [sflag:$0x1], $0xAE0, $0x38;
	[tilespmem:$0x6280] =	vst v63  }
0x41: {  	s15 =	simm.s32 @p0 $0x1  }
0x42: {  	_ =	swait.ge @p0 [sflag:s15], $0xAE0  }
0x43: {  	[sflag:s15] =	ssyncset.done @p0 $0x0  }
0x44: {  	s16 =	simm.s32 @p0 $0x5600;
	[sflag:s15] =	ssyncadd.s32 @p0 $0xFFFFF520  }
0x45: {  	[hbm4b:s8+s14] =	stream.linear.scatter @p0 [tilespmem:s16], [sflag:$0x1], $0xAE0, $0x38;
	[tilespmem:$0x6280] =	vst v63  }
0x46: {  	_ =	swait.ge @p0 [sflag:s15], $0xAE0  }
0x47: {  	[sflag:s15] =	ssyncset.done @p0 $0x0  }
0x48: {  	s14 =	simm.s32 @!p0 $0x0;
	[sflag:s15] =	ssyncadd.s32 @p0 $0xFFFFF520;
	s15 =	simm.s32 @!p0 $0x4980  }
0x49: {  	[hbm4b:s5+s14] =	stream.linear.scatter @!p0 [tilespmem:s15], [sflag:$0x1], $0xC40, $0x38;
	[tilespmem:$0x6280] =	vst v63  }
0x4a: {  	s15 =	simm.s32 @!p0 $0x1  }
0x4b: {  	s13 =	sadd.s32 $0x1, s13;
	_ =	swait.ge @!p0 [sflag:s15], $0xC40  }
0x4c: {  	p1 =	sne.s32 s13, s9;
	[sflag:s15] =	ssyncset.done @!p0 $0x0  }
.Ltmp5:
0x4d: {  	s16 =	simm.s32 @!p0 $0x5600;
	[sflag:s15] =	ssyncadd.s32 @!p0 $0xFFFFF3C0;
	(pc) =	sbr.rel @p1 .LBB2_1-.Ltmp5, $4  }
0x4e: {  	[hbm4b:s6+s14] =	stream.linear.scatter @!p0 [tilespmem:s16], [sflag:$0x1], $0xC40, $0x38;
	[tilespmem:$0x6280] =	vst v63  }
0x4f: {  	_ =	swait.ge @!p0 [sflag:s15], $0xC40  }
0x50: {  	[sflag:s15] =	ssyncset.done @!p0 $0x0  }
0x51: {  	[sflag:s15] =	ssyncadd.s32 @!p0 $0xFFFFF3C0  }
0x52: {  	_ =	sfence.sel $0x180000  }
0x53: {  	[bflag:$0x0] =	sbarrier.arrive $0xFFFF  }
0x54: {  	p0 =	sne.s32 s0, $0x0;
	_ =	strace $0x90000047  }
0x55: {  	s0 =	sadd.s32 @!p0 $0x100000, s3;
	[bflag:$0x2] =	sbarrier.arrive $0xFFFF  }
0x56: {  	[sflag:s0] =	ssyncadd.tile.s32 @!p0 $0x1;
	_ =	shalt  }
.Lfunc_end2:
_tile_overlayer_lowered:
.L_overlay_start_2:
0x57: {  	(tag) =	ssettag $0x2  }
0x58: {  	s0 =	rddreg [dreg:$0x0];
	s2 =	stileid.u32  }
0x59: {  	s1 =	rddreg [dreg:$0x1];
	p0 =	sne.s32 s2, $0x0  }
0x5a: {  	s3 =	rddreg [dreg:$0x2];
	[bflag:$0x3] =	sbarrier.arrive $0xFFFF;
	s2 =	simm.s32 @!p0 $0x1C01  }
0x5b: {  	[timem:s3], [sflag:s2] =	dma.local @!p0 [hbm:s0], s1  }
0x5c: {  	s0 =	simm.s32 @!p0 $0x1  }
0x5d: {  	_ =	swait.ge @!p0 [sflag:s0], s1  }
0x5e: {  	s1 =	ssub.s32 @!p0 $0x0, s1;
	[sflag:s0] =	ssyncset.done @!p0 $0x0  }
0x5f: {  	[sflag:s0] =	ssyncadd.s32 @!p0 s1  }
0x60: {  	[bflag:$0x3] =	sbarrier.arrive $0xFFFF  }
0x61: {  	_ =	shalt  }

</sc_bundles>
